<compile_context>
chip_gen: v7x
topology: tpu7x:2x2x1
jax: 0.10.2.dev20260603
libtpu: 0.0.44.dev20260713+nightly
codegen_flags: <defaults>
</compile_context>

<pallas_src>
import functools

import jax
import jax.numpy as jnp
from jax import lax
from jax.experimental import pallas as pl
from jax.experimental.pallas import tpu as pltpu
from jax.experimental.pallas import tpu_sc as plsc

N_NODES = 10000
N_EDGES = 320000
D = 128

NC = 2
NS = 16

CHUNK = 128
TCH = 2560
E_PAD = TCH * CHUNK
CPT = TCH // (NC * NS)
CPP = 40

H_PAD = 10112
STRIPE = H_PAD // NS

_mesh = plsc.VectorSubcoreMesh(core_axis_name="c", subcore_axis_name="s",
                               num_cores=NC)


@functools.partial(
    pl.kernel,
    out_type=jax.ShapeDtypeStruct((NC, H_PAD, D), jnp.float32),
    mesh=_mesh,
    scratch_types=[
        pltpu.VMEM((CPP, CHUNK), jnp.int32),
        pltpu.VMEM((CPP, CHUNK), jnp.int32),
        pltpu.VMEM((CHUNK, D), jnp.float32),
        pltpu.VMEM((CHUNK, D), jnp.float32),
        pltpu.VMEM_SHARED((H_PAD, D), jnp.float32),
        pltpu.SemaphoreType.DMA,
        pltpu.SemaphoreType.DMA,
    ],
)
def _sc_segment_sum(x_hbm, src_hbm, dst_hbm, zeros_hbm, out_hbm,
                    src_v, dst_v, buf0, buf1, h_sh, sem0, sem1):
    c = lax.axis_index("c")
    s = lax.axis_index("s")
    tile_base = (c * NS + s) * CPT

    pltpu.sync_copy(zeros_hbm, h_sh.at[pl.ds(s * STRIPE, STRIPE)])
    plsc.subcore_barrier()

    def gather_start(j, buf, sem):
        pltpu.make_async_copy(x_hbm.at[src_v.at[j]], buf, sem).start()

    def gather_wait(buf, sem):
        pltpu.make_async_copy(x_hbm.at[src_v.at[0]], buf, sem).wait()

    def scatter_add(j, buf):
        pltpu.sync_copy(buf, h_sh.at[dst_v.at[j]], add=True)

    def one_pass(p, carry):
        row = pl.multiple_of(tile_base + p * CPP, 8)
        pltpu.sync_copy(src_hbm.at[pl.ds(row, CPP)], src_v)
        pltpu.sync_copy(dst_hbm.at[pl.ds(row, CPP)], dst_v)

        gather_start(0, buf0, sem0)

        def body(i, carry2):
            j0 = 2 * i
            gather_start(j0 + 1, buf1, sem1)
            gather_wait(buf0, sem0)
            scatter_add(j0, buf0)
            pl.when(j0 + 2 < CPP)(lambda: gather_start(j0 + 2, buf0, sem0))
            gather_wait(buf1, sem1)
            scatter_add(j0 + 1, buf1)
            return carry2

        lax.fori_loop(0, CPP // 2, body, 0)
        return carry

    lax.fori_loop(0, CPT // CPP, one_pass, 0)
    plsc.subcore_barrier()

    pltpu.sync_copy(h_sh.at[pl.ds(s * STRIPE, STRIPE)],
                    out_hbm.at[c, pl.ds(s * STRIPE, STRIPE)])


_DNUMS = (((1,), (1,)), ((), ()))


def _tc_body(h_ref, x_ref, wl_ref, ws_ref, b_ref, o_ref):
    h = h_ref[0] + h_ref[1]
    acc = lax.dot_general(h, wl_ref[...], _DNUMS,
                          preferred_element_type=jnp.float32)
    acc = acc + lax.dot_general(x_ref[...], ws_ref[...], _DNUMS,
                                preferred_element_type=jnp.float32)
    o_ref[...] = acc + b_ref[...]


_BLK = 2000


def _tc_linear(hpart, x, wl, ws, brow):
    return pl.pallas_call(
        _tc_body,
        grid=(N_NODES // _BLK,),
        in_specs=[
            pl.BlockSpec((NC, _BLK, D), lambda i: (0, i, 0)),
            pl.BlockSpec((_BLK, D), lambda i: (i, 0)),
            pl.BlockSpec((D, D), lambda i: (0, 0)),
            pl.BlockSpec((D, D), lambda i: (0, 0)),
            pl.BlockSpec((1, D), lambda i: (0, 0)),
        ],
        out_specs=pl.BlockSpec((_BLK, D), lambda i: (i, 0)),
        out_shape=jax.ShapeDtypeStruct((N_NODES, D), jnp.float32),
    )(hpart, x, wl, ws, brow)


def kernel(x, edge_index, W_lin, b_lin, W_self, b_self, bias):
    src = edge_index[0].astype(jnp.int32)
    dst = edge_index[1].astype(jnp.int32)
    pad = E_PAD - N_EDGES
    ar = jnp.arange(pad, dtype=jnp.int32)
    dummy_src = ar % N_NODES
    dummy_dst = N_NODES + ar % (H_PAD - N_NODES)
    src_p = jnp.concatenate([src, dummy_src]).reshape(TCH, CHUNK)
    dst_p = jnp.concatenate([dst, dummy_dst]).reshape(TCH, CHUNK)
    zeros = jnp.zeros((STRIPE, D), jnp.float32)

    hpart = _sc_segment_sum(x, src_p, dst_p, zeros)

    brow = (b_lin + b_self + bias).reshape(1, D)
    return _tc_linear(hpart, x, W_lin, W_self, brow)

# --- scband reference (transcript-rebuilt; emitter-appended) ---
"""Pipeline reference for scband-graph-conv-layer-17162689314845 (READ-ONLY COPY).

The authoritative reference and input builder live on the scoring server;
editing this copy changes nothing except your own understanding.
"""

import jax, jax.numpy as jnp
import numpy as np

N_NODES = 10000
N_EDGES = 320000
D_IN = 128
D_OUT = 128


def setup_inputs(seed: int = 0) -> dict:
    key = jax.random.key(seed)
    k_x, k_ei, k_wl, k_bl, k_ws, k_bs = jax.random.split(key, 6)
    x = jax.random.normal(k_x, (N_NODES, D_IN), dtype=jnp.float32)
    edge_index = jax.random.randint(k_ei, (2, N_EDGES), 0, N_NODES, dtype=jnp.int64)
    # Parameters sized like torch.nn.Linear(in_features, out_features): weight [out, in]
    W_lin = jax.random.normal(k_wl, (D_OUT, D_IN), dtype=jnp.float32) * (1.0 / np.sqrt(D_IN))
    b_lin = jax.random.normal(k_bl, (D_OUT,), dtype=jnp.float32) * 0.01
    W_self = jax.random.normal(k_ws, (D_OUT, D_IN), dtype=jnp.float32) * (1.0 / np.sqrt(D_IN))
    b_self = jax.random.normal(k_bs, (D_OUT,), dtype=jnp.float32) * 0.01
    bias = jnp.zeros((D_OUT,), dtype=jnp.float32)
    return {"x": x, "edge_index": edge_index, "W_lin": W_lin, "b_lin": b_lin,
            "W_self": W_self, "b_self": b_self, "bias": bias}


def reference(x, edge_index, W_lin, b_lin, W_self, b_self, bias):
    # DGL update_all(copy_src -> sum over mailbox):
    # each edge copies src node feature; each dst node sums incoming messages.
    src = edge_index[0]
    dst = edge_index[1]
    msgs = jnp.take(x, src, axis=0)                      # gather [E, D_IN]
    h = jax.ops.segment_sum(msgs, dst, num_segments=x.shape[0])  # scatter-add [N, D_IN]
    h = h @ W_lin.T + b_lin                              # self.linear(h)
    out = h + (x @ W_self.T + b_self) + bias             # + self_loop_w(x) + bias
    return out

if __name__ == "__main__":
    import jax
    _d = setup_inputs()
    print(jax.jit(kernel)(*tuple(_d.values())))

</pallas_src>

<mosaic_0001>
#map = affine_map<(d0, d1) -> (0, 0)>
#map1 = affine_map<(d0, d1) -> (0, 0, 0)>
module attributes {stable_mosaic.version = 14 : i64} {
  func.func @_sc_segment_sum(%arg0: i32, %arg1: i32, %arg2: memref<10000x128xf32, #tpu.memory_space<hbm>>, %arg3: memref<2560x128xi32, #tpu.memory_space<hbm>>, %arg4: memref<2560x128xi32, #tpu.memory_space<hbm>>, %arg5: memref<632x128xf32, #tpu.memory_space<hbm>>, %arg6: memref<2x10112x128xf32, #tpu.memory_space<hbm>>, %arg7: memref<40x128xi32, #tpu.memory_space<vmem>>, %arg8: memref<40x128xi32, #tpu.memory_space<vmem>>, %arg9: memref<128x128xf32, #tpu.memory_space<vmem>>, %arg10: memref<128x128xf32, #tpu.memory_space<vmem>>, %arg11: memref<10112x128xf32, #tpu.memory_space<vmem_shared>>, %arg12: memref<!tpu.dma_semaphore, #tpu.memory_space<semaphore_mem>>, %arg13: memref<!tpu.dma_semaphore, #tpu.memory_space<semaphore_mem>>) attributes {dimension_semantics = [#tpu.dimension_semantics<core_parallel>, #tpu.dimension_semantics<subcore_parallel>], iteration_bounds = array<i64: 2, 16>, scalar_prefetch = 0 : i64, scratch_operands = 7 : i64, tpu.core_type = #tpu.core_type<sc_vector_subcore>, window_params = [{transform_indices = #map}, {transform_indices = #map}, {transform_indices = #map}, {transform_indices = #map}, {transform_indices = #map1}]} {
    %mul3A = arith.constant 16 : i32
    %mul3A_0 = arith.muli %arg0, %mul3A : i32
    %add3A = arith.addi %mul3A_0, %arg1 : i32
    %mul3A_1 = arith.constant 80 : i32
    %mul3A_2 = arith.muli %add3A, %mul3A_1 : i32
    %mul3A_3 = arith.constant 632 : i32
    %mul3A_4 = arith.muli %arg1, %mul3A_3 : i32
    "tpu.region"() ({
      %run_scoped3A = tpu.sem_alloc : memref<!tpu.dma_semaphore, #tpu.memory_space<semaphore_mem>>
      %dma_start3A = arith.constant 0 : i32
      %dma_start3A_15 = tpu.memref_slice %arg11[%mul3A_4, %dma_start3A] : memref<10112x128xf32, #tpu.memory_space<vmem_shared>> -> memref<632x128xf32, #tpu.memory_space<vmem_shared>>
      tpu.enqueue_dma source(%arg5 : memref<632x128xf32, #tpu.memory_space<hbm>>) target(%dma_start3A_15 : memref<632x128xf32, #tpu.memory_space<vmem_shared>>) target_semaphore(%run_scoped3A : memref<!tpu.dma_semaphore, #tpu.memory_space<semaphore_mem>>)
      %dma_wait3A = arith.constant 0 : i32
      %dma_wait3A_16 = tpu.memref_slice %arg11[%mul3A_4, %dma_wait3A] : memref<10112x128xf32, #tpu.memory_space<vmem_shared>> -> memref<632x128xf32, #tpu.memory_space<vmem_shared>>
      tpu.wait_dma2 semaphore(%run_scoped3A : memref<!tpu.dma_semaphore, #tpu.memory_space<semaphore_mem>>) src(%arg5 : memref<632x128xf32, #tpu.memory_space<hbm>>) dst(%dma_wait3A_16 : memref<632x128xf32, #tpu.memory_space<vmem_shared>>)
      tpu.yield
    }) : () -> ()
    %barrier3A = arith.constant 0 : index
    tpu.barrier barrier_id(%barrier3A)
    %scan3A = arith.constant 0 : i32
    %scan3A_5 = arith.constant 0 : i32
    %scan3A_6 = arith.constant 2 : i32
    %scan3A_7 = arith.addi %scan3A_5, %scan3A_6 : i32
    %scan3A_8 = arith.constant 1 : i32
    scf.for %scan3A_15 = %scan3A_5 to %scan3A_7 step %scan3A_8  : i32 {
      %mul3A_16 = arith.constant 40 : i32
      %mul3A_17 = arith.muli %scan3A_15, %mul3A_16 : i32
      %add3A_18 = arith.addi %mul3A_2, %mul3A_17 : i32
      %multiple_of3A = tpu.assume_multiple %add3A_18, 8 : i32
      "tpu.region"() ({
        %run_scoped3A = tpu.sem_alloc : memref<!tpu.dma_semaphore, #tpu.memory_space<semaphore_mem>>
        %dma_start3A_31 = arith.constant 0 : i32
        %dma_start3A_32 = tpu.memref_slice %arg3[%multiple_of3A, %dma_start3A_31] : memref<2560x128xi32, #tpu.memory_space<hbm>> -> memref<40x128xi32, #tpu.memory_space<hbm>>
        %dma_start3A_33 = arith.constant 0 : i32
        %dma_start3A_34 = tpu.memref_slice %arg3[%multiple_of3A, %dma_start3A_33] : memref<2560x128xi32, #tpu.memory_space<hbm>> -> memref<40x128xi32, #tpu.memory_space<hbm>>
        tpu.enqueue_dma source(%dma_start3A_34 : memref<40x128xi32, #tpu.memory_space<hbm>>) target(%arg7 : memref<40x128xi32, #tpu.memory_space<vmem>>) target_semaphore(%run_scoped3A : memref<!tpu.dma_semaphore, #tpu.memory_space<semaphore_mem>>)
        %dma_wait3A = arith.constant 0 : i32
        %dma_wait3A_35 = tpu.memref_slice %arg3[%multiple_of3A, %dma_wait3A] : memref<2560x128xi32, #tpu.memory_space<hbm>> -> memref<40x128xi32, #tpu.memory_space<hbm>>
        %dma_wait3A_36 = arith.constant 0 : i32
        %dma_wait3A_37 = tpu.memref_slice %arg3[%multiple_of3A, %dma_wait3A_36] : memref<2560x128xi32, #tpu.memory_space<hbm>> -> memref<40x128xi32, #tpu.memory_space<hbm>>
        tpu.wait_dma2 semaphore(%run_scoped3A : memref<!tpu.dma_semaphore, #tpu.memory_space<semaphore_mem>>) src(%dma_wait3A_37 : memref<40x128xi32, #tpu.memory_space<hbm>>) dst(%arg7 : memref<40x128xi32, #tpu.memory_space<vmem>>)
        tpu.yield
      }) : () -> ()
      "tpu.region"() ({
        %run_scoped3A = tpu.sem_alloc : memref<!tpu.dma_semaphore, #tpu.memory_space<semaphore_mem>>
        %dma_start3A_31 = arith.constant 0 : i32
        %dma_start3A_32 = tpu.memref_slice %arg4[%multiple_of3A, %dma_start3A_31] : memref<2560x128xi32, #tpu.memory_space<hbm>> -> memref<40x128xi32, #tpu.memory_space<hbm>>
        %dma_start3A_33 = arith.constant 0 : i32
        %dma_start3A_34 = tpu.memref_slice %arg4[%multiple_of3A, %dma_start3A_33] : memref<2560x128xi32, #tpu.memory_space<hbm>> -> memref<40x128xi32, #tpu.memory_space<hbm>>
        tpu.enqueue_dma source(%dma_start3A_34 : memref<40x128xi32, #tpu.memory_space<hbm>>) target(%arg8 : memref<40x128xi32, #tpu.memory_space<vmem>>) target_semaphore(%run_scoped3A : memref<!tpu.dma_semaphore, #tpu.memory_space<semaphore_mem>>)
        %dma_wait3A = arith.constant 0 : i32
        %dma_wait3A_35 = tpu.memref_slice %arg4[%multiple_of3A, %dma_wait3A] : memref<2560x128xi32, #tpu.memory_space<hbm>> -> memref<40x128xi32, #tpu.memory_space<hbm>>
        %dma_wait3A_36 = arith.constant 0 : i32
        %dma_wait3A_37 = tpu.memref_slice %arg4[%multiple_of3A, %dma_wait3A_36] : memref<2560x128xi32, #tpu.memory_space<hbm>> -> memref<40x128xi32, #tpu.memory_space<hbm>>
        tpu.wait_dma2 semaphore(%run_scoped3A : memref<!tpu.dma_semaphore, #tpu.memory_space<semaphore_mem>>) src(%dma_wait3A_37 : memref<40x128xi32, #tpu.memory_space<hbm>>) dst(%arg8 : memref<40x128xi32, #tpu.memory_space<vmem>>)
        tpu.yield
      }) : () -> ()
      %dma_start3A = arith.constant 0 : i32
      %dma_start3A_19 = arith.constant 0 : i32
      %dma_start3A_20 = tpu.memref_slice %arg7[%dma_start3A, %dma_start3A_19] : memref<40x128xi32, #tpu.memory_space<vmem>> -> memref<1x128xi32, #tpu.memory_space<vmem>>
      %dma_start3A_21 = tpu.memref_squeeze %dma_start3A_20 : memref<1x128xi32, #tpu.memory_space<vmem>> -> memref<128xi32, #tpu.memory_space<vmem>>
      %dma_start3A_22 = arith.constant 0 : i32
      %dma_start3A_23 = arith.constant 0 : i32
      %dma_start3A_24 = tpu.memref_slice %arg2[%dma_start3A_22, %dma_start3A_23] : memref<10000x128xf32, #tpu.memory_space<hbm>> -> memref<10000x128xf32, #tpu.memory_space<hbm>>
      tpu.enqueue_indirect_dma source(%dma_start3A_24 : memref<10000x128xf32, #tpu.memory_space<hbm>>) target(%arg9 : memref<128x128xf32, #tpu.memory_space<vmem>>) offsets(%dma_start3A_21 : memref<128xi32, #tpu.memory_space<vmem>>) semaphore(%arg12 : memref<!tpu.dma_semaphore, #tpu.memory_space<semaphore_mem>>)
      %scan3A_25 = arith.constant 0 : i32
      %scan3A_26 = arith.constant 0 : i32
      %scan3A_27 = arith.constant 20 : i32
      %scan3A_28 = arith.addi %scan3A_26, %scan3A_27 : i32
      %scan3A_29 = arith.constant 1 : i32
      scf.for %scan3A_31 = %scan3A_26 to %scan3A_28 step %scan3A_29  : i32 {
        %mul3A_32 = arith.constant 2 : i32
        %mul3A_33 = arith.muli %mul3A_32, %scan3A_31 : i32
        %add3A_34 = arith.constant 1 : i32
        %add3A_35 = arith.addi %mul3A_33, %add3A_34 : i32
        %dma_start3A_36 = arith.constant 0 : i32
        %dma_start3A_37 = tpu.memref_slice %arg7[%add3A_35, %dma_start3A_36] : memref<40x128xi32, #tpu.memory_space<vmem>> -> memref<1x128xi32, #tpu.memory_space<vmem>>
        %dma_start3A_38 = tpu.memref_squeeze %dma_start3A_37 : memref<1x128xi32, #tpu.memory_space<vmem>> -> memref<128xi32, #tpu.memory_space<vmem>>
        %dma_start3A_39 = arith.constant 0 : i32
        %dma_start3A_40 = arith.constant 0 : i32
        %dma_start3A_41 = tpu.memref_slice %arg2[%dma_start3A_39, %dma_start3A_40] : memref<10000x128xf32, #tpu.memory_space<hbm>> -> memref<10000x128xf32, #tpu.memory_space<hbm>>
        tpu.enqueue_indirect_dma source(%dma_start3A_41 : memref<10000x128xf32, #tpu.memory_space<hbm>>) target(%arg10 : memref<128x128xf32, #tpu.memory_space<vmem>>) offsets(%dma_start3A_38 : memref<128xi32, #tpu.memory_space<vmem>>) semaphore(%arg13 : memref<!tpu.dma_semaphore, #tpu.memory_space<semaphore_mem>>)
        %dma_wait3A = arith.constant 0 : i32
        %dma_wait3A_42 = arith.constant 0 : i32
        %dma_wait3A_43 = tpu.memref_slice %arg7[%dma_wait3A, %dma_wait3A_42] : memref<40x128xi32, #tpu.memory_space<vmem>> -> memref<1x128xi32, #tpu.memory_space<vmem>>
        %dma_wait3A_44 = tpu.memref_squeeze %dma_wait3A_43 : memref<1x128xi32, #tpu.memory_space<vmem>> -> memref<128xi32, #tpu.memory_space<vmem>>
        %dma_wait3A_45 = arith.constant 0 : i32
        %dma_wait3A_46 = arith.constant 0 : i32
        %dma_wait3A_47 = tpu.memref_slice %arg2[%dma_wait3A_45, %dma_wait3A_46] : memref<10000x128xf32, #tpu.memory_space<hbm>> -> memref<10000x128xf32, #tpu.memory_space<hbm>>
        tpu.wait_indirect_dma semaphore(%arg12 : memref<!tpu.dma_semaphore, #tpu.memory_space<semaphore_mem>>) src(%dma_wait3A_47 : memref<10000x128xf32, #tpu.memory_space<hbm>>) dst(%arg9 : memref<128x128xf32, #tpu.memory_space<vmem>>)
        "tpu.region"() ({
          %run_scoped3A = tpu.sem_alloc : memref<!tpu.dma_semaphore, #tpu.memory_space<semaphore_mem>>
          %dma_start3A_61 = arith.constant 0 : i32
          %dma_start3A_62 = tpu.memref_slice %arg8[%mul3A_33, %dma_start3A_61] : memref<40x128xi32, #tpu.memory_space<vmem>> -> memref<1x128xi32, #tpu.memory_space<vmem>>
          %dma_start3A_63 = tpu.memref_squeeze %dma_start3A_62 : memref<1x128xi32, #tpu.memory_space<vmem>> -> memref<128xi32, #tpu.memory_space<vmem>>
          %dma_start3A_64 = arith.constant 0 : i32
          %dma_start3A_65 = arith.constant 0 : i32
          %dma_start3A_66 = tpu.memref_slice %arg11[%dma_start3A_64, %dma_start3A_65] : memref<10112x128xf32, #tpu.memory_space<vmem_shared>> -> memref<10112x128xf32, #tpu.memory_space<vmem_shared>>
          tpu.enqueue_indirect_dma source(%arg9 : memref<128x128xf32, #tpu.memory_space<vmem>>) target(%dma_start3A_66 : memref<10112x128xf32, #tpu.memory_space<vmem_shared>>) offsets(%dma_start3A_63 : memref<128xi32, #tpu.memory_space<vmem>>) semaphore(%run_scoped3A : memref<!tpu.dma_semaphore, #tpu.memory_space<semaphore_mem>>) {add = true}
          %dma_wait3A_67 = arith.constant 0 : i32
          %dma_wait3A_68 = tpu.memref_slice %arg8[%mul3A_33, %dma_wait3A_67] : memref<40x128xi32, #tpu.memory_space<vmem>> -> memref<1x128xi32, #tpu.memory_space<vmem>>
          %dma_wait3A_69 = tpu.memref_squeeze %dma_wait3A_68 : memref<1x128xi32, #tpu.memory_space<vmem>> -> memref<128xi32, #tpu.memory_space<vmem>>
          %dma_wait3A_70 = arith.constant 0 : i32
          %dma_wait3A_71 = arith.constant 0 : i32
          %dma_wait3A_72 = tpu.memref_slice %arg11[%dma_wait3A_70, %dma_wait3A_71] : memref<10112x128xf32, #tpu.memory_space<vmem_shared>> -> memref<10112x128xf32, #tpu.memory_space<vmem_shared>>
          tpu.wait_indirect_dma semaphore(%run_scoped3A : memref<!tpu.dma_semaphore, #tpu.memory_space<semaphore_mem>>) src(%arg9 : memref<128x128xf32, #tpu.memory_space<vmem>>) dst(%dma_wait3A_72 : memref<10112x128xf32, #tpu.memory_space<vmem_shared>>)
          tpu.yield
        }) : () -> ()
        %add3A_48 = arith.constant 2 : i32
        %add3A_49 = arith.addi %mul3A_33, %add3A_48 : i32
        %lt3A = arith.constant 40 : i32
        %lt3A_50 = arith.cmpi slt, %add3A_49, %lt3A : i32
        %convert_element_type3A = arith.extui %lt3A_50 : i1 to i32
        %cond3A = arith.constant 0 : i32
        %cond3A_51 = arith.cmpi ne, %convert_element_type3A, %cond3A : i32
        scf.if %cond3A_51 {
          %add3A_61 = arith.constant 2 : i32
          %add3A_62 = arith.addi %mul3A_33, %add3A_61 : i32
          %dma_start3A_63 = arith.constant 0 : i32
          %dma_start3A_64 = tpu.memref_slice %arg7[%add3A_62, %dma_start3A_63] : memref<40x128xi32, #tpu.memory_space<vmem>> -> memref<1x128xi32, #tpu.memory_space<vmem>>
          %dma_start3A_65 = tpu.memref_squeeze %dma_start3A_64 : memref<1x128xi32, #tpu.memory_space<vmem>> -> memref<128xi32, #tpu.memory_space<vmem>>
          %dma_start3A_66 = arith.constant 0 : i32
          %dma_start3A_67 = arith.constant 0 : i32
          %dma_start3A_68 = tpu.memref_slice %arg2[%dma_start3A_66, %dma_start3A_67] : memref<10000x128xf32, #tpu.memory_space<hbm>> -> memref<10000x128xf32, #tpu.memory_space<hbm>>
          tpu.enqueue_indirect_dma source(%dma_start3A_68 : memref<10000x128xf32, #tpu.memory_space<hbm>>) target(%arg9 : memref<128x128xf32, #tpu.memory_space<vmem>>) offsets(%dma_start3A_65 : memref<128xi32, #tpu.memory_space<vmem>>) semaphore(%arg12 : memref<!tpu.dma_semaphore, #tpu.memory_space<semaphore_mem>>)
        } else {
        }
        %dma_wait3A_52 = arith.constant 0 : i32
        %dma_wait3A_53 = arith.constant 0 : i32
        %dma_wait3A_54 = tpu.memref_slice %arg7[%dma_wait3A_52, %dma_wait3A_53] : memref<40x128xi32, #tpu.memory_space<vmem>> -> memref<1x128xi32, #tpu.memory_space<vmem>>
        %dma_wait3A_55 = tpu.memref_squeeze %dma_wait3A_54 : memref<1x128xi32, #tpu.memory_space<vmem>> -> memref<128xi32, #tpu.memory_space<vmem>>
        %dma_wait3A_56 = arith.constant 0 : i32
        %dma_wait3A_57 = arith.constant 0 : i32
        %dma_wait3A_58 = tpu.memref_slice %arg2[%dma_wait3A_56, %dma_wait3A_57] : memref<10000x128xf32, #tpu.memory_space<hbm>> -> memref<10000x128xf32, #tpu.memory_space<hbm>>
        tpu.wait_indirect_dma semaphore(%arg13 : memref<!tpu.dma_semaphore, #tpu.memory_space<semaphore_mem>>) src(%dma_wait3A_58 : memref<10000x128xf32, #tpu.memory_space<hbm>>) dst(%arg10 : memref<128x128xf32, #tpu.memory_space<vmem>>)
        %add3A_59 = arith.constant 1 : i32
        %add3A_60 = arith.addi %mul3A_33, %add3A_59 : i32
        "tpu.region"() ({
          %run_scoped3A = tpu.sem_alloc : memref<!tpu.dma_semaphore, #tpu.memory_space<semaphore_mem>>
          %dma_start3A_61 = arith.constant 0 : i32
          %dma_start3A_62 = tpu.memref_slice %arg8[%add3A_60, %dma_start3A_61] : memref<40x128xi32, #tpu.memory_space<vmem>> -> memref<1x128xi32, #tpu.memory_space<vmem>>
          %dma_start3A_63 = tpu.memref_squeeze %dma_start3A_62 : memref<1x128xi32, #tpu.memory_space<vmem>> -> memref<128xi32, #tpu.memory_space<vmem>>
          %dma_start3A_64 = arith.constant 0 : i32
          %dma_start3A_65 = arith.constant 0 : i32
          %dma_start3A_66 = tpu.memref_slice %arg11[%dma_start3A_64, %dma_start3A_65] : memref<10112x128xf32, #tpu.memory_space<vmem_shared>> -> memref<10112x128xf32, #tpu.memory_space<vmem_shared>>
          tpu.enqueue_indirect_dma source(%arg10 : memref<128x128xf32, #tpu.memory_space<vmem>>) target(%dma_start3A_66 : memref<10112x128xf32, #tpu.memory_space<vmem_shared>>) offsets(%dma_start3A_63 : memref<128xi32, #tpu.memory_space<vmem>>) semaphore(%run_scoped3A : memref<!tpu.dma_semaphore, #tpu.memory_space<semaphore_mem>>) {add = true}
          %dma_wait3A_67 = arith.constant 0 : i32
          %dma_wait3A_68 = tpu.memref_slice %arg8[%add3A_60, %dma_wait3A_67] : memref<40x128xi32, #tpu.memory_space<vmem>> -> memref<1x128xi32, #tpu.memory_space<vmem>>
          %dma_wait3A_69 = tpu.memref_squeeze %dma_wait3A_68 : memref<1x128xi32, #tpu.memory_space<vmem>> -> memref<128xi32, #tpu.memory_space<vmem>>
          %dma_wait3A_70 = arith.constant 0 : i32
          %dma_wait3A_71 = arith.constant 0 : i32
          %dma_wait3A_72 = tpu.memref_slice %arg11[%dma_wait3A_70, %dma_wait3A_71] : memref<10112x128xf32, #tpu.memory_space<vmem_shared>> -> memref<10112x128xf32, #tpu.memory_space<vmem_shared>>
          tpu.wait_indirect_dma semaphore(%run_scoped3A : memref<!tpu.dma_semaphore, #tpu.memory_space<semaphore_mem>>) src(%arg10 : memref<128x128xf32, #tpu.memory_space<vmem>>) dst(%dma_wait3A_72 : memref<10112x128xf32, #tpu.memory_space<vmem_shared>>)
          tpu.yield
        }) : () -> ()
      }
      %scan3A_30 = arith.constant 20 : i32
    }
    %scan3A_9 = arith.constant 2 : i32
    %barrier3A_10 = arith.constant 0 : index
    tpu.barrier barrier_id(%barrier3A_10)
    %mul3A_11 = arith.constant 632 : i32
    %mul3A_12 = arith.muli %arg1, %mul3A_11 : i32
    %mul3A_13 = arith.constant 632 : i32
    %mul3A_14 = arith.muli %arg1, %mul3A_13 : i32
    "tpu.region"() ({
      %run_scoped3A = tpu.sem_alloc : memref<!tpu.dma_semaphore, #tpu.memory_space<semaphore_mem>>
      %dma_start3A = arith.constant 0 : i32
      %dma_start3A_15 = tpu.memref_slice %arg6[%arg0, %mul3A_14, %dma_start3A] : memref<2x10112x128xf32, #tpu.memory_space<hbm>> -> memref<1x632x128xf32, #tpu.memory_space<hbm>>
      %dma_start3A_16 = tpu.memref_squeeze %dma_start3A_15 : memref<1x632x128xf32, #tpu.memory_space<hbm>> -> memref<632x128xf32, #tpu.memory_space<hbm>>
      %dma_start3A_17 = arith.constant 0 : i32
      %dma_start3A_18 = tpu.memref_slice %arg11[%mul3A_12, %dma_start3A_17] : memref<10112x128xf32, #tpu.memory_space<vmem_shared>> -> memref<632x128xf32, #tpu.memory_space<vmem_shared>>
      tpu.enqueue_dma source(%dma_start3A_18 : memref<632x128xf32, #tpu.memory_space<vmem_shared>>) target(%dma_start3A_16 : memref<632x128xf32, #tpu.memory_space<hbm>>) target_semaphore(%run_scoped3A : memref<!tpu.dma_semaphore, #tpu.memory_space<semaphore_mem>>)
      %dma_wait3A = arith.constant 0 : i32
      %dma_wait3A_19 = tpu.memref_slice %arg6[%arg0, %mul3A_14, %dma_wait3A] : memref<2x10112x128xf32, #tpu.memory_space<hbm>> -> memref<1x632x128xf32, #tpu.memory_space<hbm>>
      %dma_wait3A_20 = tpu.memref_squeeze %dma_wait3A_19 : memref<1x632x128xf32, #tpu.memory_space<hbm>> -> memref<632x128xf32, #tpu.memory_space<hbm>>
      %dma_wait3A_21 = arith.constant 0 : i32
      %dma_wait3A_22 = tpu.memref_slice %arg11[%mul3A_12, %dma_wait3A_21] : memref<10112x128xf32, #tpu.memory_space<vmem_shared>> -> memref<632x128xf32, #tpu.memory_space<vmem_shared>>
      tpu.wait_dma2 semaphore(%run_scoped3A : memref<!tpu.dma_semaphore, #tpu.memory_space<semaphore_mem>>) src(%dma_wait3A_22 : memref<632x128xf32, #tpu.memory_space<vmem_shared>>) dst(%dma_wait3A_20 : memref<632x128xf32, #tpu.memory_space<hbm>>)
      tpu.yield
    }) : () -> ()
    return
  }
}

module attributes {stable_mosaic.version = 14 : i64} {
  func.func @_tc_body(%arg0: i32, %arg1: memref<2x2000x128xf32, #tpu.memory_space<vmem>>, %arg2: memref<2000x128xf32, #tpu.memory_space<vmem>>, %arg3: memref<128x128xf32, #tpu.memory_space<vmem>>, %arg4: memref<128x128xf32, #tpu.memory_space<vmem>>, %arg5: memref<1x128xf32, #tpu.memory_space<vmem>>, %arg6: memref<2000x128xf32, #tpu.memory_space<vmem>>) attributes {dimension_semantics = [#tpu.dimension_semantics<arbitrary>], iteration_bounds = array<i64: 5>, scalar_prefetch = 0 : i64, scratch_operands = 0 : i64, tpu.core_type = #tpu.core_type<tc>, window_params = [{transform_indices = @transform_0, window_bounds = array<i64: 2, 2000, 128>}, {transform_indices = @transform_1, window_bounds = array<i64: 2000, 128>}, {pipeline_mode = #tpu.pipeline_mode<synchronous>, transform_indices = @transform_2, window_bounds = array<i64: 128, 128>}, {pipeline_mode = #tpu.pipeline_mode<synchronous>, transform_indices = @transform_3, window_bounds = array<i64: 128, 128>}, {pipeline_mode = #tpu.pipeline_mode<synchronous>, transform_indices = @transform_4, window_bounds = array<i64: 1, 128>}, {transform_indices = @transform_5, window_bounds = array<i64: 2000, 128>}]} {
    %get3A = arith.constant 0 : index
    %get3A_0 = arith.constant 0 : index
    %get3A_1 = arith.constant 0 : index
    %get3A_2 = vector.load %arg1[%get3A, %get3A_0, %get3A_1] : memref<2x2000x128xf32, #tpu.memory_space<vmem>>, vector<1x2000x128xf32>
    %get3A_3 = vector.shape_cast %get3A_2 : vector<1x2000x128xf32> to vector<2000x128xf32>
    %get3A_4 = arith.constant 1 : index
    %get3A_5 = arith.constant 0 : index
    %get3A_6 = arith.constant 0 : index
    %get3A_7 = vector.load %arg1[%get3A_4, %get3A_5, %get3A_6] : memref<2x2000x128xf32, #tpu.memory_space<vmem>>, vector<1x2000x128xf32>
    %get3A_8 = vector.shape_cast %get3A_7 : vector<1x2000x128xf32> to vector<2000x128xf32>
    %add3A = arith.addf %get3A_3, %get3A_8 : vector<2000x128xf32>
    %get3A_9 = arith.constant 0 : index
    %get3A_10 = arith.constant 0 : index
    %get3A_11 = vector.load %arg3[%get3A_9, %get3A_10] : memref<128x128xf32, #tpu.memory_space<vmem>>, vector<128x128xf32>
    %dot_general3A = arith.constant dense<0.000000e+00> : vector<2000x128xf32>
    %dot_general3A_12 = tpu.matmul %add3A, %get3A_11, %dot_general3A {dimension_numbers = #tpu.dot_dimension_numbers<[1], [1], [0], [0], [0, 0, 1, 0], [], []>, transpose_lhs_hint = false} : vector<2000x128xf32>, vector<128x128xf32>, vector<2000x128xf32> -> vector<2000x128xf32>
    %get3A_13 = arith.constant 0 : index
    %get3A_14 = arith.constant 0 : index
    %get3A_15 = vector.load %arg2[%get3A_13, %get3A_14] : memref<2000x128xf32, #tpu.memory_space<vmem>>, vector<2000x128xf32>
    %get3A_16 = arith.constant 0 : index
    %get3A_17 = arith.constant 0 : index
    %get3A_18 = vector.load %arg4[%get3A_16, %get3A_17] : memref<128x128xf32, #tpu.memory_space<vmem>>, vector<128x128xf32>
    %dot_general3A_19 = arith.constant dense<0.000000e+00> : vector<2000x128xf32>
    %dot_general3A_20 = tpu.matmul %get3A_15, %get3A_18, %dot_general3A_19 {dimension_numbers = #tpu.dot_dimension_numbers<[1], [1], [0], [0], [0, 0, 1, 0], [], []>, transpose_lhs_hint = false} : vector<2000x128xf32>, vector<128x128xf32>, vector<2000x128xf32> -> vector<2000x128xf32>
    %add3A_21 = arith.addf %dot_general3A_12, %dot_general3A_20 : vector<2000x128xf32>
    %get3A_22 = arith.constant 0 : index
    %get3A_23 = arith.constant 0 : index
    %get3A_24 = vector.load %arg5[%get3A_22, %get3A_23] : memref<1x128xf32, #tpu.memory_space<vmem>>, vector<1x128xf32>
    %add3A_25 = vector.broadcast %get3A_24 : vector<1x128xf32> to vector<2000x128xf32>
    %add3A_26 = arith.addf %add3A_21, %add3A_25 : vector<2000x128xf32>
    %swap3A = arith.constant 0 : index
    %swap3A_27 = arith.constant 0 : index
    %swap3A_28 = vector.load %arg6[%swap3A, %swap3A_27] : memref<2000x128xf32, #tpu.memory_space<vmem>>, vector<2000x128xf32>
    tpu.vector_store %arg6[%swap3A, %swap3A_27], %add3A_26 {strides = array<i32>} : memref<2000x128xf32, #tpu.memory_space<vmem>>, vector<2000x128xf32>,
    return
  }
  func.func @transform_0(%arg0: i32) -> (i32, i32, i32) {
    %c0_i32 = arith.constant 0 : i32
    %c0_i32_0 = arith.constant 0 : i32
    %c0_i32_1 = arith.constant 0 : i32
    return %c0_i32, %arg0, %c0_i32_0 : i32, i32, i32
  }
  func.func @transform_1(%arg0: i32) -> (i32, i32) {
    %c0_i32 = arith.constant 0 : i32
    %c0_i32_0 = arith.constant 0 : i32
    return %arg0, %c0_i32 : i32, i32
  }
  func.func @transform_2(%arg0: i32) -> (i32, i32) {
    %c0_i32 = arith.constant 0 : i32
    %c0_i32_0 = arith.constant 0 : i32
    %c0_i32_1 = arith.constant 0 : i32
    return %c0_i32, %c0_i32_0 : i32, i32
  }
  func.func @transform_3(%arg0: i32) -> (i32, i32) {
    %c0_i32 = arith.constant 0 : i32
    %c0_i32_0 = arith.constant 0 : i32
    %c0_i32_1 = arith.constant 0 : i32
    return %c0_i32, %c0_i32_0 : i32, i32
  }
  func.func @transform_4(%arg0: i32) -> (i32, i32) {
    %c0_i32 = arith.constant 0 : i32
    %c0_i32_0 = arith.constant 0 : i32
    %c0_i32_1 = arith.constant 0 : i32
    return %c0_i32, %c0_i32_0 : i32, i32
  }
  func.func @transform_5(%arg0: i32) -> (i32, i32) {
    %c0_i32 = arith.constant 0 : i32
    %c0_i32_0 = arith.constant 0 : i32
    return %arg0, %c0_i32 : i32, i32
  }
}

</mosaic_0001>

<sc_bundles>
// kernel: kernel.4.cloned.1.call-start
scs
__scs_entry_jumppad:
0x0: {  	(pc) =	sbr.rel $0x88, $3  }
0x1: {  	(tag) =	ssettag $0x0;
	lr =	simm.s32 $0x1  }
0x2: {  	[smem:$0x3F9A] =	sst lr;
	_ =	strace $0xD0000000  }
0x3: {  	_ = 	snop  }
0x4: {  	_ = 	snop  }
0x5: {  	_ = 	snop  }
0x6: {  	_ = 	snop  }
0x7: {  	_ = 	snop  }
__scs_overlays_trampoline_lowered:
0x8: {  	[smem:$0x3FA9] =	sst s0  }
0x9: {  	[smem:$0x3FAA] =	sst s1  }
0xa: {  	[smem:$0x3FAB] =	sst s2  }
0xb: {  	[smem:$0x3FAC] =	sst s3  }
0xc: {  	[smem:$0x3FAD] =	sst s4  }
0xd: {  	[smem:$0x3FAE] =	sst s5  }
0xe: {  	[smem:$0x3FAF] =	sst s6  }
0xf: {  	[smem:$0x3FB0] =	sst s7  }
0x10: {  	[smem:$0x3FB1] =	sst s8  }
0x11: {  	[smem:$0x3FB2] =	sst s9;
	s0 =	simm.s32 @!p0 $0x0  }
0x12: {  	s1 =	sld [smem:$0x3F98];
	s0 =	simm.s32 @p0 $0x1  }
0x13: {  	[smem:$0x3FB3] =	sst s0;
	s0 =	simm.s32 @!p1 $0x0  }
0x14: {  	s2 =	sld [smem:$0x3F97];
	s0 =	simm.s32 @p1 $0x1  }
0x15: {  	[smem:$0x3FB4] =	sst s0;
	s0 =	simm.s32 @!p2 $0x0  }
0x16: {  	s3 =	sld [smem:$0x3FDB];
	s0 =	simm.s32 @p2 $0x1  }
0x17: {  	s4 =	simm.s32 $0x1BF5;
	[smem:$0x3FB6] =	sst s0  }
0x18: {  	s0 =	sld [smem:$0x3F99];
	_ =	swait.ge [sflag:s4], $0x0  }
0x19: {  	s7 =	sld [smem:$0x3F9A]  }
0x1a: {  	s8 =	sadd.s32 $0xFFFFE003, lr  }
0x1b: {  	s9 =	sadd.s32 $0xFFFFFEF7, lr;
	s5 =	simm.s32 $0xFFFFFFFF;
	p2 =	slt.u32 s8, $0xFFFFF086  }
0x1c: {  	p1 =	slt.u32 s9, $0xF7A;
	s5 =	simm.s32 @!p2 $0x0  }
0x1d: {  	s5 =	simm.s32 @p1 $0x1;
	p0 =	seq.s32 s7, s2  }
0x1e: {  	s7 =	smul.u32 @!p0 $0xF7A, s2;
	p2 =	seq.s32 @!p0 s5, $0x0  }
0x1f: {  	s9 =	smul.u32 $0xF7A, s1;
	s8 =	simm.s32 @!p0 $0x1BF5;
	p2 =	por !p2, p0  }
0x20: {  	[sflag:s8] =	ssyncset.s32 @!p0 $0xFFFFF086;
	s6 =	sadd.s32 @!p0 s3, s7;
	s7 =	simm.s32 @!p0 $0x108  }
0x21: {  	s3 =	sadd.s32 s3, s9;
	s6 =	sadd.s32 @!p0 $0x88, s6;
	s7 =	simm.s32 @p2 $0x1082  }
0x22: {  	[simem:s7], [sflag:s8] =	dma.local @!p0 [hbm:s6], $0xF7A  }
0x23: {  	s9 =	sor.u32 $0xD0000000, s2;
	s6 =	simm.s32 $0x108;
	_ =	swait.ge @!p0 [sflag:s8], $0x0  }
0x24: {  	s3 =	sadd.s32 $0x88, s3;
	s6 =	simm.s32 @!p1 $0x1082;
	[sflag:s4] =	ssyncset.s32 $0xFFFFF086  }
0x25: {  	[simem:s6], [sflag:s4] =	dma.local [hbm:s3], $0xF7A  }
0x26: {  	[smem:$0x3F9A] =	sst s1;
	(tag) =	ssettag s2;
	_ =	strace s9  }
0x27: {  	s1 =	sld [smem:$0x3FAA]  }
0x28: {  	s2 =	sld [smem:$0x3FAB]  }
0x29: {  	s4 =	sld [smem:$0x3FAD]  }
0x2a: {  	p0 =	seq.s32 s5, $0x0;
	s5 =	sld [smem:$0x3FAE]  }
0x2b: {  	s6 =	sld [smem:$0x3FAF]  }
0x2c: {  	s7 =	sld [smem:$0x3FB0]  }
0x2d: {  	s3 =	simm.s32 $0x108;
	s8 =	sld [smem:$0x3FB1]  }
0x2e: {  	s3 =	simm.s32 @!p0 $0x1082;
	s9 =	sld [smem:$0x3FB2]  }
0x2f: {  	lr =	sadd.s32 s0, s3;
	s0 =	sld [smem:$0x3FA9]  }
0x30: {  	s3 =	sld [smem:$0x3FAC]  }
0x31: {  	[smem:$0x3FB5] =	sst s10  }
0x32: {  	s10 =	sld [smem:$0x3FB3];
	_ =	sdelay $0x3  }
0x33: {  	p0 =	seq.s32 s10, $0x1;
	s10 =	sld [smem:$0x3FB5];
	_ =	sdelay $0x3  }
0x34: {  	[smem:$0x3FB5] =	sst s10  }
0x35: {  	s10 =	sld [smem:$0x3FB4];
	_ =	sdelay $0x3  }
0x36: {  	p1 =	seq.s32 s10, $0x1;
	s10 =	sld [smem:$0x3FB5];
	_ =	sdelay $0x3  }
0x37: {  	[smem:$0x3FB5] =	sst s10  }
0x38: {  	s10 =	sld [smem:$0x3FB6]  }
0x39: {  	_ = 	snop;
	(pc) =	sbr.ind lr, $3  }
0x3a: {  	_ = 	snop  }
0x3b: {  	_ = 	snop  }
0x3c: {  	p2 =	seq.s32 s10, $0x1;
	s10 =	sld [smem:$0x3FB5]  }
0x3d: {  	_ =	shalt  }
0x3e: {  	_ =	shalt  }
0x3f: {  	_ =	shalt  }
0x40: {  	_ =	shalt  }
0x41: {  	_ =	shalt  }
0x42: {  	_ =	shalt  }
0x43: {  	_ =	shalt  }
0x44: {  	_ =	shalt  }
0x45: {  	_ =	shalt  }
0x46: {  	_ =	shalt  }
0x47: {  	_ =	shalt  }
0x48: {  	_ =	shalt  }
0x49: {  	_ =	shalt  }
0x4a: {  	_ =	shalt  }
0x4b: {  	_ =	shalt  }
0x4c: {  	_ =	shalt  }
0x4d: {  	_ =	shalt  }
0x4e: {  	_ =	shalt  }
0x4f: {  	_ =	shalt  }
0x50: {  	_ =	shalt  }
0x51: {  	_ =	shalt  }
0x52: {  	_ =	shalt  }
0x53: {  	_ =	shalt  }
0x54: {  	_ =	shalt  }
0x55: {  	_ =	shalt  }
0x56: {  	_ =	shalt  }
0x57: {  	_ =	shalt  }
0x58: {  	_ =	shalt  }
0x59: {  	_ =	shalt  }
0x5a: {  	_ =	shalt  }
0x5b: {  	_ =	shalt  }
0x5c: {  	_ =	shalt  }
0x5d: {  	_ =	shalt  }
0x5e: {  	_ =	shalt  }
0x5f: {  	_ =	shalt  }
0x60: {  	_ =	shalt  }
0x61: {  	_ =	shalt  }
0x62: {  	_ =	shalt  }
0x63: {  	_ =	shalt  }
0x64: {  	_ =	shalt  }
0x65: {  	_ =	shalt  }
0x66: {  	_ =	shalt  }
0x67: {  	_ =	shalt  }
0x68: {  	_ =	shalt  }
0x69: {  	_ =	shalt  }
0x6a: {  	_ =	shalt  }
0x6b: {  	_ =	shalt  }
0x6c: {  	_ =	shalt  }
0x6d: {  	_ =	shalt  }
0x6e: {  	_ =	shalt  }
0x6f: {  	_ =	shalt  }
0x70: {  	_ =	shalt  }
0x71: {  	_ =	shalt  }
0x72: {  	_ =	shalt  }
0x73: {  	_ =	shalt  }
0x74: {  	_ =	shalt  }
0x75: {  	_ =	shalt  }
0x76: {  	_ =	shalt  }
0x77: {  	_ =	shalt  }
0x78: {  	_ =	shalt  }
0x79: {  	_ =	shalt  }
0x7a: {  	_ =	shalt  }
0x7b: {  	_ =	shalt  }
0x7c: {  	_ =	shalt  }
0x7d: {  	_ =	shalt  }
0x7e: {  	_ =	shalt  }
0x7f: {  	_ =	shalt  }
0x80: {  	_ =	shalt  }
0x81: {  	_ =	shalt  }
0x82: {  	_ =	shalt  }
0x83: {  	_ =	shalt  }
0x84: {  	_ =	shalt  }
0x85: {  	_ =	shalt  }
0x86: {  	_ =	shalt  }
0x87: {  	_ =	shalt  }
.Lfunc_end0:
.L_simem_size_0:
called_computation_lowered:
.L_overlay_start_0:
0x88: {  	s2 =	sld [smem:$0x3FD9]  }
0x89: {  	s3 =	sld [smem:$0x3FFE];
	_ =	sdelay $0x1  }
0x8a: {  	s1 =	srdreg.scid  }
0x8b: {  	s0 =	sand.u32 $0x1, s1  }
0x8c: {  	s17 =	sshll.u32 s0, $0xA;
	s2 =	sadd.s32 s3, s2  }
0x8d: {  	s2 =	sadd.s32 s2, s17  }
0x8e: {  	[smem:$0x3FC1] =	sst s2  }
0x8f: {  	_ = 	snop  }
0x90: {  	s2 =	sld [smem:$0x3FC9]  }
0x91: {  	s18 =	sld [smem:$0x3FD0];
	(tm) =	ssettm $0x1  }
0x92: {  	s4 =	sld [smem:$0x3FFB];
	_ =	sdelay $0x3  }
0x93: {  	_ =	strace s4  }
0x94: {  	s4 =	sld [smem:$0x3FFC];
	_ =	sdelay $0x3  }
0x95: {  	_ =	strace s4  }
0x96: {  	s4 =	sld [smem:$0x3FFD];
	_ =	sdelay $0x3  }
0x97: {  	_ =	strace s4  }
0x98: {  	_ =	strace $0x8FFFFFFF  }
0x99: {  	s19 =	sld [smem:$0x3FDB];
	_ =	sdelay $0x1  }
0x9a: {  	s5 =	simm.s32 $_scs_section_size  }
0x9b: {  	s6 =	simm.s32 $_size__tile_overlayer_lowered;
	s7 =	simm.s32 $_tile_overlayer_lowered  }
0x9c: {  	s22 =	simm.s32 $0x1BFF;
	s21 =	sshll.u32 s7, $0x1;
	s4 =	sadd.s32 s5, s19  }
0x9d: {  	s8 =	simm.s32 $0x0;
	s20 =	sshll.u32 s6, $0x1;
	s6 =	sadd.s32 s21, s4  }
0x9e: {  	[timem:s8], [sflag:s22] =	dma.local [hbm:s6], s20  }
0x9f: {  	_ =	swait.ge [sflag:s22], s20  }
0xa0: {  	s5 =	ssub.s32 $0x0, s20;
	[sflag:s22] =	ssyncset.done $0x0  }
0xa1: {  	[sflag:s22] =	ssyncadd.s32 s5;
	_ =	sdelay $0x1  }
0xa2: {  	s23 =	simm.s32 $0x1B8B  }
0xa3: {  	_ =	swait.ge [sflag:s23], $0x1  }
0xa4: {  	[sflag:s23] =	ssyncset.done $0x0  }
0xa5: {  	s25 =	simm.s32 $0x1B8E;
	s24 =	sld [smem:$0x3FFE];
	[sflag:s23] =	ssyncadd.s32 $0xFFFFFFFF  }
0xa6: {  	s26 =	simm.s32 $execute0_lowered;
	[smem:$0x3FD2] =	sst s25  }
0xa7: {  	s6 =	sshll.u32 s26, $0x1;
	_ =	strace $0x80000046;
	[dreg:$0x1] =	wrdreg $0xFFFFFFFF  }
0xa8: {  	s28 =	simm.s32 $_size_execute0_lowered;
	s4 =	sadd.s32 s4, s6;
	[dreg:$0x0] =	wrdreg $0x0  }
0xa9: {  	s6 =	sshll.u32 s28, $0x1;
	[dreg:$0x2] =	wrdreg s4  }
0xaa: {  	[dreg:$0x3] =	wrdreg s6  }
0xab: {  	[dreg:$0x4] =	wrdreg $0xC0  }
0xac: {  	_ =	task [dreg:s8], $0x5FFFF  }
0xad: {  	[dreg:$0x1] =	wrdreg $0xFFFFFFFF  }
0xae: {  	[dreg:$0x0] =	wrdreg $0x60  }
0xaf: {  	[dreg:$0x2] =	wrdreg s2  }
0xb0: {  	[dreg:$0x3] =	wrdreg s18  }
0xb1: {  	[dreg:$0x4] =	wrdreg s24  }
0xb2: {  	[dreg:$0x5] =	wrdreg $0xA8000  }
0xb3: {  	[dreg:$0x6] =	wrdreg $0x9  }
0xb4: {  	_ =	task.clear_ibuf [dreg:s8], $0x7FFFF;
	_ =	strace $0x90000046  }
0xb5: {  	s29 =	simm.s32 $0x9;
	_ =	strace $0x80000048  }
0xb6: {  	_ =	swait.ge [sflag:s29], $0x1  }
0xb7: {  	[sflag:s29] =	ssyncadd.s32 $0xFFFFFFFF  }
0xb8: {  	_ =	strace $0x90000048  }
0xb9: {  	_ =	sfence  }
0xba: {  	s30 =	sld [smem:$0x0];
	_ =	sdelay $0x2  }
0xbb: {  	s31 =	sshll.u32 s1, $0xD;
	s1 =	sshrl.u32 s1, $0x2  }
0xbc: {  	s3 =	sand.u32 $0x4000, s31;
	s1 =	sadd.s32 s1, s30  }
0xbd: {  	s0 =	sor.u32 s3, s0;
	s1 =	sshll.u32 s1, $0x11  }
0xbe: {  	s0 =	sor.u32 s1, s0  }
0xbf: {  	s0 =	sadd.s32 $0x8F2B, s0  }
0xc0: {  	[sflag:s0] =	ssyncadd.remote.s32 $0x1  }
0xc1: {  	_ =	sfence.sel $0xFFFF  }
0xc2: {  	[dreg:$0x0] =	wrdreg $0xFFFFFFFF;
	(pc) =	sbr.abs _section_cstart, $3  }
0xc3: {  	[dreg:$0x1] =	wrdreg $0xFFFFFFFF  }
0xc4: {  	_ =	task.clear_ibuf [dreg:s8], $0x2FFFF;
	_ =	strace $0x9FFFFFFF  }
0xc5: {  	(tm) =	ssettm $0x7FFFFFFF  }
tec
execute0_lowered:
.L_overlay_start_1:
0x0: {  	(tag) =	ssettag $0x1  }
0x1: {  	s0 =	rddreg [dreg:$0x0]  }
0x2: {  	s11 =	rddreg [dreg:$0x1]  }
0x3: {  	s6 =	rddreg [dreg:$0x2];
	s1 =	srdreg.scid  }
0x4: {  	s3 =	rddreg [dreg:$0x3];
	s2 =	stileid.u32  }
0x5: {  	s4 =	simm.s32 $0x0;
	s16 =	simm.s32 $0x80;
	s17 =	simm.s32 $0x2800  }
0x6: {  	s18 =	simm.s32 $0x6800;
	s19 =	simm.s32 $0x1;
	s20 =	simm.s32 $0x2  }
0x7: {  	s21 =	simm.s32 $0x1380;
	s22 =	simm.s32 $0x2700;
	s23 =	simm.s32 $0x2780  }
0x8: {  	s7 =	sand.u32 $0x1, s1;
	s1 =	rddreg [dreg:$0x4];
	s8 =	smul.u32 $0x13C00, s2  }
0x9: {  	s24 =	simm.s32 $0x0;
	[smem:$0x7FF] =	sst s4;
	s13 =	smul.u32 $0x4F000, s2  }
0xa: {  	s12 =	sadd.s32 $0x1200, s6;
	s30 =	sshll.u32 s2, $0x6;
	s5 =	smul.u32 $0x13C000, s7  }
0xb: {  	_ =	strace $0x80000047;
	s9 =	ssub.s32 $0x2, s7;
	s7 =	sshll.u32 s7, $0x4  }
0xc: {  	s10 =	sshrl.u32 s9, $0x1;
	s28 =	sor.u32 s2, s7;
	s29 =	sshrl.u32 s13, $0x2  }
0xd: {  	s8 =	sadd.s32 s8, s5;
	s5 =	sadd.s32 $0xB200, s6;
	s9 =	ssub.s32 s9, s10  }
0xe: {  	s31 =	smul.u32 $0x500, s28;
	s14 =	sadd.s32 s29, s3;
	s8 =	sshrl.u32 s8, $0x3  }
0xf: {  	s13 =	sshrl.u32 s14, $0x3;
	s14 =	simm.s32 $0x3;
	s8 =	sadd.s32 s8, s6  }
0x10: {  	s6 =	sor.u32 $0x1C03, s30;
	s15 =	sadd.s32 $0x280, s31;
	s10 =	sadd.s32 s12, s31  }
0x11: {  	s7 =	sadd.s32 $0xDA00, s8;
	s8 =	smax.u32 s9, $0x1;
	s9 =	sadd.s32 s11, s31  }
0x12: {  	s11 =	sadd.s32 s11, s15;
	s12 =	sadd.s32 s12, s15;
	s15 =	simm.s32 $0x1400  }
.LBB2_1:
0x13: {  	[spmem:s13], [sflag:s6] =	dma.local [hbm:s5], $0x2780  }
0x14: {  	_ =	swait.ge [sflag:s14], $0x2780  }
0x15: {  	[sflag:s14] =	ssyncset.done $0x0  }
0x16: {  	[sflag:s14] =	ssyncadd.s32 $0xFFFFD880  }
0x17: {  	[bflag:$0x0] =	sbarrier.arrive $0xFFFF  }
0x18: {  	[tilespmem:s4], [sflag:$0x3] =	stream.linear.gather [hbm4b:s9+s4], $0x1400, $0x38;
	[tilespmem:$0x1E400] =	vst v63  }
0x19: {  	_ =	swait.ge [sflag:s14], $0x1400  }
0x1a: {  	[sflag:s14] =	ssyncset.done $0x0  }
0x1b: {  	[sflag:s14] =	ssyncadd.s32 $0xFFFFEC00  }
0x1c: {  	[tilespmem:s15], [sflag:$0x3] =	stream.linear.gather [hbm4b:s10+s4], $0x1400, $0x38;
	[tilespmem:$0x1E400] =	vst v63  }
0x1d: {  	_ =	swait.ge [sflag:s14], $0x1400  }
0x1e: {  	[sflag:s14] =	ssyncset.done $0x0  }
0x1f: {  	[sflag:s14] =	ssyncadd.s32 $0xFFFFEC00  }
0x20: {  	[tilespmem:s17], [sflag:$0x1] =	stream.indirect.gather [hbm4b:s0+s16], $0x80, s4, s16, $0xb8;
	[tilespmem:$0x1E400] =	vst v63  }
0x21: {  	s25 =	simm.s32 $0x80  }
0x22: {  	[tilespmem:s18], [sflag:$0x2] =	stream.indirect.gather [hbm4b:s0+s16], $0x80, s25, s16, $0xb8;
	[tilespmem:$0x1E400] =	vst v63  }
0x23: {  	_ =	swait.ge [sflag:s19], $0x4000  }
0x24: {  	[sflag:s19] =	ssyncset.done $0x0  }
0x25: {  	s29 =	simm.s32 $0x1400;
	[sflag:s19] =	ssyncadd.s32 $0xFFFFC000  }
0x26: {  	[spmem:s3] =	stream.indirect.scatter.add.f32 [tilespmem:s17], [sflag:$0x3], $0x80, s29, s16, $0xb8;
	[tilespmem:$0x1E400] =	vst v63  }
0x27: {  	_ =	swait.ge [sflag:s14], $0x4000  }
0x28: {  	[sflag:s14] =	ssyncset.done $0x0  }
0x29: {  	s30 =	simm.s32 $0x100;
	[sflag:s14] =	ssyncadd.s32 $0xFFFFC000  }
0x2a: {  	[tilespmem:s17], [sflag:$0x1] =	stream.indirect.gather [hbm4b:s0+s16], $0x80, s30, s16, $0xb8;
	[tilespmem:$0x1E400] =	vst v63  }
0x2b: {  	_ =	swait.ge [sflag:s20], $0x4000  }
0x2c: {  	[sflag:s20] =	ssyncset.done $0x0  }
0x2d: {  	s31 =	simm.s32 $0x1480;
	[sflag:s20] =	ssyncadd.s32 $0xFFFFC000  }
0x2e: {  	[spmem:s3] =	stream.indirect.scatter.add.f32 [tilespmem:s18], [sflag:$0x3], $0x80, s31, s16, $0xb8;
	[tilespmem:$0x1E400] =	vst v63  }
0x2f: {  	_ =	swait.ge [sflag:s14], $0x4000  }
0x30: {  	s26 =	simm.s32 $0x800;
	s25 =	simm.s32 $0x100;
	[sflag:s14] =	ssyncset.done $0x0  }
.LBB2_2:
0x31: {  	s28 =	sadd.s32 $0x80, s25  }
0x32: {  	[sflag:s14] =	ssyncadd.s32 $0xFFFFC000;
	s29 =	smov.u32 s26;
	s30 =	sadd.s32 $0x400, s26  }
0x33: {  	[tilespmem:s18], [sflag:$0x2] =	stream.indirect.gather [hbm4b:s0+s16], $0x80, s28, s16, $0xb8;
	[tilespmem:$0x1E400] =	vst v63  }
0x34: {  	p0 =	sne.s32 s26, $0x4800;
	_ =	swait.ge [sflag:s19], $0x4000  }
0x35: {  	[sflag:s19] =	ssyncset.done $0x0  }
0x36: {  	s26 =	sadd.s32 $0x1400, s25;
	[sflag:s19] =	ssyncadd.s32 $0xFFFFC000  }
0x37: {  	[spmem:s3] =	stream.indirect.scatter.add.f32 [tilespmem:s17], [sflag:$0x3], $0x80, s26, s16, $0xb8;
	[tilespmem:$0x1E400] =	vst v63  }
0x38: {  	_ =	swait.ge [sflag:s14], $0x4000  }
0x39: {  	[sflag:s14] =	ssyncset.done $0x0  }
0x3a: {  	s26 =	sadd.s32 $0x100, s25;
	[sflag:s14] =	ssyncadd.s32 $0xFFFFC000  }
0x3b: {  	[tilespmem:s17], [sflag:$0x1] =	stream.indirect.gather [hbm4b:s0+s16], $0x80, s26, s16, $0xb8;
	[tilespmem:$0x1E400] =	vst v63  }
0x3c: {  	_ =	swait.ge [sflag:s20], $0x4000  }
.Ltmp0:
0x3d: {  	[sflag:s20] =	ssyncset.done $0x0;
	(pc) =	sbr.rel @p0 .LBB2_2-.Ltmp0, $4  }
0x3e: {  	s25 =	sadd.s32 $0x1480, s25;
	[sflag:s20] =	ssyncadd.s32 $0xFFFFC000  }
0x3f: {  	[spmem:s3] =	stream.indirect.scatter.add.f32 [tilespmem:s18], [sflag:$0x3], $0x80, s25, s16, $0xb8;
	[tilespmem:$0x1E400] =	vst v63  }
0x40: {  	_ =	swait.ge [sflag:s14], $0x4000  }
0x41: {  	s26 =	smov.u32 s30;
	s25 =	sshra.s32 s29, $0x2;
	[sflag:s14] =	ssyncset.done $0x0  }
0x42: {  	s26 =	sadd.s32 $0x80, s25;
	[sflag:s14] =	ssyncadd.s32 $0xFFFFC000  }
0x43: {  	[tilespmem:s18], [sflag:$0x2] =	stream.indirect.gather [hbm4b:s0+s16], $0x80, s26, s16, $0xb8;
	[tilespmem:$0x1E400] =	vst v63  }
0x44: {  	_ =	swait.ge [sflag:s19], $0x4000  }
0x45: {  	[sflag:s19] =	ssyncset.done $0x0  }
0x46: {  	s29 =	sadd.s32 $0x1400, s25;
	[sflag:s19] =	ssyncadd.s32 $0xFFFFC000  }
0x47: {  	[spmem:s3] =	stream.indirect.scatter.add.f32 [tilespmem:s17], [sflag:$0x3], $0x80, s29, s16, $0xb8;
	[tilespmem:$0x1E400] =	vst v63  }
0x48: {  	_ =	swait.ge [sflag:s14], $0x4000  }
0x49: {  	[sflag:s14] =	ssyncset.done $0x0  }
0x4a: {  	s30 =	sadd.s32 $0x100, s25;
	[sflag:s14] =	ssyncadd.s32 $0xFFFFC000  }
0x4b: {  	[tilespmem:s17], [sflag:$0x1] =	stream.indirect.gather [hbm4b:s0+s16], $0x80, s30, s16, $0xb8;
	[tilespmem:$0x1E400] =	vst v63  }
0x4c: {  	_ =	swait.ge [sflag:s20], $0x4000  }
0x4d: {  	[sflag:s20] =	ssyncset.done $0x0  }
0x4e: {  	s31 =	sadd.s32 $0x1480, s25;
	[sflag:s20] =	ssyncadd.s32 $0xFFFFC000  }
0x4f: {  	[spmem:s3] =	stream.indirect.scatter.add.f32 [tilespmem:s18], [sflag:$0x3], $0x80, s31, s16, $0xb8;
	[tilespmem:$0x1E400] =	vst v63  }
0x50: {  	_ =	swait.ge [sflag:s14], $0x4000  }
0x51: {  	[sflag:s14] =	ssyncset.done $0x0  }
0x52: {  	[sflag:s14] =	ssyncadd.s32 $0xFFFFC000  }
0x53: {  	[tilespmem:s18], [sflag:$0x2] =	stream.indirect.gather [hbm4b:s0+s16], $0x80, s21, s16, $0xb8;
	[tilespmem:$0x1E400] =	vst v63  }
0x54: {  	_ =	swait.ge [sflag:s19], $0x4000  }
0x55: {  	[sflag:s19] =	ssyncset.done $0x0  }
0x56: {  	[sflag:s19] =	ssyncadd.s32 $0xFFFFC000  }
0x57: {  	[spmem:s3] =	stream.indirect.scatter.add.f32 [tilespmem:s17], [sflag:$0x3], $0x80, s22, s16, $0xb8;
	[tilespmem:$0x1E400] =	vst v63  }
0x58: {  	_ =	swait.ge [sflag:s14], $0x4000  }
0x59: {  	[sflag:s14] =	ssyncset.done $0x0  }
0x5a: {  	[sflag:s14] =	ssyncadd.s32 $0xFFFFC000  }
0x5b: {  	_ =	swait.ge [sflag:s20], $0x4000  }
0x5c: {  	[sflag:s20] =	ssyncset.done $0x0  }
0x5d: {  	[sflag:s20] =	ssyncadd.s32 $0xFFFFC000  }
0x5e: {  	[spmem:s3] =	stream.indirect.scatter.add.f32 [tilespmem:s18], [sflag:$0x3], $0x80, s23, s16, $0xb8;
	[tilespmem:$0x1E400] =	vst v63  }
0x5f: {  	_ =	swait.ge [sflag:s14], $0x4000  }
0x60: {  	[sflag:s14] =	ssyncset.done $0x0  }
0x61: {  	s26 =	simm.s32 $0x0;
	[sflag:s14] =	ssyncadd.s32 $0xFFFFC000  }
0x62: {  	[tilespmem:s26], [sflag:$0x3] =	stream.linear.gather [hbm4b:s11+s26], $0x1400, $0x38;
	[tilespmem:$0x1E400] =	vst v63  }
0x63: {  	_ =	swait.ge [sflag:s14], $0x1400  }
0x64: {  	[sflag:s14] =	ssyncset.done $0x0  }
0x65: {  	[sflag:s14] =	ssyncadd.s32 $0xFFFFEC00  }
0x66: {  	[tilespmem:s15], [sflag:$0x3] =	stream.linear.gather [hbm4b:s12+s26], $0x1400, $0x38;
	[tilespmem:$0x1E400] =	vst v63  }
0x67: {  	_ =	swait.ge [sflag:s14], $0x1400  }
0x68: {  	[sflag:s14] =	ssyncset.done $0x0  }
0x69: {  	[sflag:s14] =	ssyncadd.s32 $0xFFFFEC00  }
0x6a: {  	[tilespmem:s17], [sflag:$0x1] =	stream.indirect.gather [hbm4b:s0+s16], $0x80, s26, s16, $0xb8;
	[tilespmem:$0x1E400] =	vst v63  }
0x6b: {  	s28 =	simm.s32 $0x80  }
0x6c: {  	[tilespmem:s18], [sflag:$0x2] =	stream.indirect.gather [hbm4b:s0+s16], $0x80, s28, s16, $0xb8;
	[tilespmem:$0x1E400] =	vst v63  }
0x6d: {  	_ =	swait.ge [sflag:s19], $0x4000  }
0x6e: {  	[sflag:s19] =	ssyncset.done $0x0  }
0x6f: {  	s29 =	simm.s32 $0x1400;
	[sflag:s19] =	ssyncadd.s32 $0xFFFFC000  }
0x70: {  	[spmem:s3] =	stream.indirect.scatter.add.f32 [tilespmem:s17], [sflag:$0x3], $0x80, s29, s16, $0xb8;
	[tilespmem:$0x1E400] =	vst v63  }
0x71: {  	_ =	swait.ge [sflag:s14], $0x4000  }
0x72: {  	[sflag:s14] =	ssyncset.done $0x0  }
0x73: {  	s30 =	simm.s32 $0x100;
	[sflag:s14] =	ssyncadd.s32 $0xFFFFC000  }
0x74: {  	[tilespmem:s17], [sflag:$0x1] =	stream.indirect.gather [hbm4b:s0+s16], $0x80, s30, s16, $0xb8;
	[tilespmem:$0x1E400] =	vst v63  }
0x75: {  	_ =	swait.ge [sflag:s20], $0x4000  }
0x76: {  	[sflag:s20] =	ssyncset.done $0x0  }
0x77: {  	s31 =	simm.s32 $0x1480;
	[sflag:s20] =	ssyncadd.s32 $0xFFFFC000  }
0x78: {  	[spmem:s3] =	stream.indirect.scatter.add.f32 [tilespmem:s18], [sflag:$0x3], $0x80, s31, s16, $0xb8;
	[tilespmem:$0x1E400] =	vst v63  }
0x79: {  	_ =	swait.ge [sflag:s14], $0x4000  }
0x7a: {  	s25 =	simm.s32 $0x100;
	s26 =	simm.s32 $0x800;
	[sflag:s14] =	ssyncset.done $0x0  }
.LBB2_4:
0x7b: {  	s28 =	sadd.s32 $0x80, s25  }
0x7c: {  	[sflag:s14] =	ssyncadd.s32 $0xFFFFC000;
	s29 =	smov.u32 s26;
	s30 =	sadd.s32 $0x400, s26  }
0x7d: {  	[tilespmem:s18], [sflag:$0x2] =	stream.indirect.gather [hbm4b:s0+s16], $0x80, s28, s16, $0xb8;
	[tilespmem:$0x1E400] =	vst v63  }
0x7e: {  	p0 =	sne.s32 s26, $0x4800;
	_ =	swait.ge [sflag:s19], $0x4000  }
0x7f: {  	[sflag:s19] =	ssyncset.done $0x0  }
0x80: {  	s26 =	sadd.s32 $0x1400, s25;
	[sflag:s19] =	ssyncadd.s32 $0xFFFFC000  }
0x81: {  	[spmem:s3] =	stream.indirect.scatter.add.f32 [tilespmem:s17], [sflag:$0x3], $0x80, s26, s16, $0xb8;
	[tilespmem:$0x1E400] =	vst v63  }
0x82: {  	_ =	swait.ge [sflag:s14], $0x4000  }
0x83: {  	[sflag:s14] =	ssyncset.done $0x0  }
0x84: {  	s26 =	sadd.s32 $0x100, s25;
	[sflag:s14] =	ssyncadd.s32 $0xFFFFC000  }
0x85: {  	[tilespmem:s17], [sflag:$0x1] =	stream.indirect.gather [hbm4b:s0+s16], $0x80, s26, s16, $0xb8;
	[tilespmem:$0x1E400] =	vst v63  }
0x86: {  	_ =	swait.ge [sflag:s20], $0x4000  }
.Ltmp1:
0x87: {  	[sflag:s20] =	ssyncset.done $0x0;
	(pc) =	sbr.rel @p0 .LBB2_4-.Ltmp1, $4  }
0x88: {  	s25 =	sadd.s32 $0x1480, s25;
	[sflag:s20] =	ssyncadd.s32 $0xFFFFC000  }
0x89: {  	[spmem:s3] =	stream.indirect.scatter.add.f32 [tilespmem:s18], [sflag:$0x3], $0x80, s25, s16, $0xb8;
	[tilespmem:$0x1E400] =	vst v63  }
0x8a: {  	_ =	swait.ge [sflag:s14], $0x4000  }
0x8b: {  	s26 =	smov.u32 s30;
	s25 =	sshra.s32 s29, $0x2;
	[sflag:s14] =	ssyncset.done $0x0  }
0x8c: {  	s26 =	sadd.s32 $0x80, s25;
	[sflag:s14] =	ssyncadd.s32 $0xFFFFC000  }
0x8d: {  	[tilespmem:s18], [sflag:$0x2] =	stream.indirect.gather [hbm4b:s0+s16], $0x80, s26, s16, $0xb8;
	[tilespmem:$0x1E400] =	vst v63  }
0x8e: {  	_ =	swait.ge [sflag:s19], $0x4000  }
0x8f: {  	[sflag:s19] =	ssyncset.done $0x0  }
0x90: {  	s29 =	sadd.s32 $0x1400, s25;
	[sflag:s19] =	ssyncadd.s32 $0xFFFFC000  }
0x91: {  	[spmem:s3] =	stream.indirect.scatter.add.f32 [tilespmem:s17], [sflag:$0x3], $0x80, s29, s16, $0xb8;
	[tilespmem:$0x1E400] =	vst v63  }
0x92: {  	_ =	swait.ge [sflag:s14], $0x4000  }
0x93: {  	[sflag:s14] =	ssyncset.done $0x0  }
0x94: {  	s30 =	sadd.s32 $0x100, s25;
	[sflag:s14] =	ssyncadd.s32 $0xFFFFC000  }
0x95: {  	[tilespmem:s17], [sflag:$0x1] =	stream.indirect.gather [hbm4b:s0+s16], $0x80, s30, s16, $0xb8;
	[tilespmem:$0x1E400] =	vst v63  }
0x96: {  	_ =	swait.ge [sflag:s20], $0x4000  }
0x97: {  	[sflag:s20] =	ssyncset.done $0x0  }
0x98: {  	s31 =	sadd.s32 $0x1480, s25;
	[sflag:s20] =	ssyncadd.s32 $0xFFFFC000  }
0x99: {  	[spmem:s3] =	stream.indirect.scatter.add.f32 [tilespmem:s18], [sflag:$0x3], $0x80, s31, s16, $0xb8;
	[tilespmem:$0x1E400] =	vst v63  }
0x9a: {  	_ =	swait.ge [sflag:s14], $0x4000  }
0x9b: {  	[sflag:s14] =	ssyncset.done $0x0  }
0x9c: {  	[sflag:s14] =	ssyncadd.s32 $0xFFFFC000  }
0x9d: {  	[tilespmem:s18], [sflag:$0x2] =	stream.indirect.gather [hbm4b:s0+s16], $0x80, s21, s16, $0xb8;
	[tilespmem:$0x1E400] =	vst v63  }
0x9e: {  	_ =	swait.ge [sflag:s19], $0x4000  }
0x9f: {  	[sflag:s19] =	ssyncset.done $0x0  }
0xa0: {  	[sflag:s19] =	ssyncadd.s32 $0xFFFFC000  }
0xa1: {  	[spmem:s3] =	stream.indirect.scatter.add.f32 [tilespmem:s17], [sflag:$0x3], $0x80, s22, s16, $0xb8;
	[tilespmem:$0x1E400] =	vst v63  }
0xa2: {  	_ =	swait.ge [sflag:s14], $0x4000  }
0xa3: {  	[sflag:s14] =	ssyncset.done $0x0  }
0xa4: {  	[sflag:s14] =	ssyncadd.s32 $0xFFFFC000  }
0xa5: {  	_ =	swait.ge [sflag:s20], $0x4000  }
0xa6: {  	[sflag:s20] =	ssyncset.done $0x0  }
0xa7: {  	[sflag:s20] =	ssyncadd.s32 $0xFFFFC000  }
0xa8: {  	[spmem:s3] =	stream.indirect.scatter.add.f32 [tilespmem:s18], [sflag:$0x3], $0x80, s23, s16, $0xb8;
	[tilespmem:$0x1E400] =	vst v63  }
0xa9: {  	_ =	swait.ge [sflag:s14], $0x4000  }
0xaa: {  	s24 =	sadd.s32 $0x1, s24;
	[sflag:s14] =	ssyncset.done $0x0  }
0xab: {  	p0 =	sne.s32 s24, s8;
	[sflag:s14] =	ssyncadd.s32 $0xFFFFC000  }
.Ltmp2:
0xac: {  	[bflag:$0x0] =	sbarrier.arrive $0xFFFF;
	(pc) =	sbr.rel @p0 .LBB2_1-.Ltmp2, $4  }
0xad: {  	[hbm:s7], [sflag:s6] =	dma.local [spmem:s13], $0x2780  }
0xae: {  	_ =	swait.ge [sflag:s14], $0x2780  }
0xaf: {  	[sflag:s14] =	ssyncset.done $0x0  }
0xb0: {  	[sflag:s14] =	ssyncadd.s32 $0xFFFFD880  }
0xb1: {  	_ =	sfence.sel $0x180000  }
0xb2: {  	[bflag:$0x0] =	sbarrier.arrive $0xFFFF  }
0xb3: {  	p0 =	sne.s32 s2, $0x0;
	_ =	strace $0x90000047  }
0xb4: {  	s0 =	sadd.s32 @!p0 $0x100000, s1;
	[bflag:$0x2] =	sbarrier.arrive $0xFFFF  }
0xb5: {  	[sflag:s0] =	ssyncadd.tile.s32 @!p0 $0x1;
	_ =	shalt  }
.Lfunc_end2:
_tile_overlayer_lowered:
.L_overlay_start_2:
0xb6: {  	(tag) =	ssettag $0x2  }
0xb7: {  	s0 =	rddreg [dreg:$0x0];
	s2 =	stileid.u32  }
0xb8: {  	s1 =	rddreg [dreg:$0x1];
	p0 =	sne.s32 s2, $0x0  }
0xb9: {  	s3 =	rddreg [dreg:$0x2];
	[bflag:$0x3] =	sbarrier.arrive $0xFFFF;
	s2 =	simm.s32 @!p0 $0x1C03  }
0xba: {  	[timem:s3], [sflag:s2] =	dma.local @!p0 [hbm:s0], s1  }
0xbb: {  	s0 =	simm.s32 @!p0 $0x3  }
0xbc: {  	_ =	swait.ge @!p0 [sflag:s0], s1  }
0xbd: {  	s1 =	ssub.s32 @!p0 $0x0, s1;
	[sflag:s0] =	ssyncset.done @!p0 $0x0  }
0xbe: {  	[sflag:s0] =	ssyncadd.s32 @!p0 s1  }
0xbf: {  	[bflag:$0x3] =	sbarrier.arrive $0xFFFF  }
0xc0: {  	_ =	shalt  }

</sc_bundles>
